<compile_context>
chip_gen: v7x
topology: tpu7x:2x2x1
jax: 0.10.2.dev20260603
libtpu: 0.0.44.dev20260713+nightly
codegen_flags: <defaults>
</compile_context>

<pallas_src>
import functools

import jax
import jax.numpy as jnp
from jax import lax
from jax.experimental import pallas as pl
from jax.experimental.pallas import tpu as pltpu
from jax.experimental.pallas import tpu_sc as plsc

_N = 10000
_E = 320000
_D = 128

_NC = 2
_NS = 16
_NW = _NC * _NS
_L = 16

_CK = 128
_NCHUNK = _E // _CK
_MAXSPAN = ((_NCHUNK + _NW - 1) // _NW) * _CK


def _dense_body(xa_ref, xb_ref, w1_ref, b1_ref, w2_ref, s_ref):
    for x_ref, lo in ((xa_ref, 0), (xb_ref, _HB)):
        h = jnp.tanh(
            lax.dot_general(
                x_ref[...], w1_ref[...], (((1,), (0,)), ((), ())),
                preferred_element_type=jnp.float32,
            )
            + b1_ref[...]
        )
        s_ref[:, lo:lo + _HB] = lax.dot_general(
            w2_ref[...], h, (((1,), (1,)), ((), ())),
            preferred_element_type=jnp.float32,
        )


_NP = 10240
_HB = 2560


def _dense_call(x, W1, b1_2d, w2_row):
    blk = 2 * _HB
    return pl.pallas_call(
        _dense_body,
        grid=(_NP // blk,),
        in_specs=[
            pl.BlockSpec((_HB, _D), lambda i: (2 * i, 0)),
            pl.BlockSpec((_HB, _D), lambda i: (2 * i + 1, 0)),
            pl.BlockSpec((_D, _D), lambda i: (0, 0)),
            pl.BlockSpec((1, _D), lambda i: (0, 0)),
            pl.BlockSpec((1, _D), lambda i: (0, 0)),
        ],
        out_specs=pl.BlockSpec((1, blk), lambda i: (0, i)),
        out_shape=jax.ShapeDtypeStruct((1, _NP), jnp.float32),
    )(x, x, W1, b1_2d, w2_row)


_sc_mesh = plsc.VectorSubcoreMesh(core_axis_name="c", subcore_axis_name="s")


@functools.partial(
    pl.kernel,
    out_type=jax.ShapeDtypeStruct((_NW, _N), jnp.float32),
    mesh=_sc_mesh,
    scratch_types=[
        pltpu.VMEM((_NP,), jnp.float32),
        pltpu.VMEM((2, _MAXSPAN), jnp.int32),
        pltpu.VMEM((_MAXSPAN,), jnp.float32),
        pltpu.VMEM((_N,), jnp.float32),
        pltpu.SemaphoreType.DMA,
        pltpu.SemaphoreType.DMA,
        pltpu.SemaphoreType.DMA,
    ],
    compiler_params=pltpu.CompilerParams(needs_layout_passes=False),
)
def _sparse_kernel(s_hbm, ei_hbm, val_hbm, out_hbm,
                   s_v, ei_v, val_v, acc_v, sem_s, se0, sv0):
    cid = lax.axis_index("c")
    sid = lax.axis_index("s")
    wid = cid * _NS + sid
    start = (625 * wid) >> 3
    end = (625 * (wid + 1)) >> 3
    n16 = (end - start) * (_CK // _L)
    base = start * _CK

    cp0 = pltpu.async_copy(s_hbm.at[0], s_v, sem_s)
    cp1 = pltpu.async_copy(ei_hbm.at[:, pl.ds(base, _MAXSPAN)], ei_v, se0)
    cp2 = pltpu.async_copy(val_hbm.at[pl.ds(base, _MAXSPAN)], val_v, sv0)

    @plsc.parallel_loop(0, _N // _L, unroll=5)
    def _zero(i):
        acc_v[pl.ds(i * _L, _L)] = jnp.zeros((_L,), jnp.float32)

    cp0.wait()
    cp1.wait()
    cp2.wait()

    @plsc.parallel_loop(0, n16, unroll=16)
    def _edge(i):
        off = i * _L
        r = ei_v[0, pl.ds(off, _L)]
        c = ei_v[1, pl.ds(off, _L)]
        v = val_v[pl.ds(off, _L)]
        g = plsc.load_gather(s_v, [c])
        plsc.addupdate_scatter(acc_v, [r], g * v)

    pltpu.sync_copy(acc_v, out_hbm.at[wid])


def _reduce_body(p_ref, b2_ref, o_ref):
    o_ref[...] = jnp.sum(p_ref[...], axis=0, keepdims=True) + b2_ref[...]


def _reduce_call(partials, b2_2d):
    return pl.pallas_call(
        _reduce_body,
        in_specs=[
            pl.BlockSpec((_NW, _N), lambda: (0, 0)),
            pl.BlockSpec((1, 1), lambda: (0, 0)),
        ],
        out_specs=pl.BlockSpec((1, _N), lambda: (0, 0)),
        out_shape=jax.ShapeDtypeStruct((1, _N), jnp.float32),
    )(partials, b2_2d)


def kernel(x, adj_edge_index, adj_values, W1, b1, W2, b2):
    s = _dense_call(x, W1, b1.reshape(1, _D), W2.reshape(1, _D))
    partials = _sparse_kernel(s, adj_edge_index, adj_values)
    out = _reduce_call(partials, b2.reshape(1, 1))
    return out.reshape(_N, 1)

# --- scband reference (transcript-rebuilt; emitter-appended) ---
"""Pipeline reference for scband-classical-gcn-77077483094916 (READ-ONLY COPY).

The authoritative reference and input builder live on the scoring server;
editing this copy changes nothing except your own understanding.
"""

import jax, jax.numpy as jnp
import numpy as np

N = 10000
E = 320000
D_IN = 128
D_H = 128

def setup_inputs(seed: int = 0) -> dict:
    key = jax.random.key(seed)
    k1, k2, k3, k4, k5 = jax.random.split(key, 5)
    x = jax.random.normal(k1, (N, D_IN), dtype=jnp.float32)
    # Sparse adjacency in COO form: row = destination, col = source
    adj_edge_index = jax.random.randint(k2, (2, E), 0, N, dtype=jnp.int32)
    adj_values = jax.random.uniform(k3, (E,), dtype=jnp.float32)
    # Parameters of nn.Linear(in_dim, hidden_dim) and nn.Linear(hidden_dim, 1)
    W1 = jax.random.normal(k4, (D_IN, D_H), dtype=jnp.float32) * (1.0 / np.sqrt(D_IN))
    b1 = jnp.zeros((D_H,), dtype=jnp.float32)
    W2 = jax.random.normal(k5, (D_H, 1), dtype=jnp.float32) * (1.0 / np.sqrt(D_H))
    b2 = jnp.zeros((1,), dtype=jnp.float32)
    return {"x": x, "adj_edge_index": adj_edge_index, "adj_values": adj_values,
            "W1": W1, "b1": b1, "W2": W2, "b2": b2}

def reference(x, adj_edge_index, adj_values, W1, b1, W2, b2):
    # h = tanh(Linear(x))
    h = jnp.tanh(x @ W1 + b1)
    # torch.spmm(adj, h): out[i] = sum_j adj[i, j] * h[j]
    row = adj_edge_index[0]  # destination node of each nonzero
    col = adj_edge_index[1]  # source node of each nonzero
    msgs = h[col] * adj_values[:, None]              # gather (SparseCore)
    agg = jax.ops.segment_sum(msgs, row, num_segments=N)  # scatter-add (SparseCore)
    # out = Linear(hidden_dim -> 1)
    return agg @ W2 + b2

if __name__ == "__main__":
    import jax
    _d = setup_inputs()
    print(jax.jit(kernel)(*tuple(_d.values())))

</pallas_src>

<mosaic_0001>
#map = affine_map<(d0, d1) -> (0, 0)>
#map1 = affine_map<(d0, d1) -> (0)>
module attributes {stable_mosaic.version = 14 : i64} {
  func.func @_sparse_kernel(%arg0: i32, %arg1: i32, %arg2: memref<1x10240xf32, #tpu.memory_space<hbm>>, %arg3: memref<2x320000xi32, #tpu.memory_space<hbm>>, %arg4: memref<320000xf32, #tpu.memory_space<hbm>>, %arg5: memref<32x10000xf32, #tpu.memory_space<hbm>>, %arg6: memref<10240xf32, #tpu.memory_space<vmem>>, %arg7: memref<2x10112xi32, #tpu.memory_space<vmem>>, %arg8: memref<10112xf32, #tpu.memory_space<vmem>>, %arg9: memref<10000xf32, #tpu.memory_space<vmem>>, %arg10: memref<!tpu.dma_semaphore, #tpu.memory_space<semaphore_mem>>, %arg11: memref<!tpu.dma_semaphore, #tpu.memory_space<semaphore_mem>>, %arg12: memref<!tpu.dma_semaphore, #tpu.memory_space<semaphore_mem>>) attributes {dimension_semantics = [#tpu.dimension_semantics<core_parallel>, #tpu.dimension_semantics<subcore_parallel>], iteration_bounds = array<i64: 2, 16>, scalar_prefetch = 0 : i64, scratch_operands = 7 : i64, tpu.core_type = #tpu.core_type<sc_vector_subcore>, window_params = [{transform_indices = #map}, {transform_indices = #map}, {transform_indices = #map1}, {transform_indices = #map}]} {
    %mul3A = arith.constant 16 : i32
    %mul3A_0 = arith.muli %arg0, %mul3A : i32
    %add3A = arith.addi %mul3A_0, %arg1 : i32
    %mul3A_1 = arith.constant 625 : i32
    %mul3A_2 = arith.muli %mul3A_1, %add3A : i32
    %shift_right_arithmetic3A = arith.constant 3 : i32
    %shift_right_arithmetic3A_3 = arith.shrsi %mul3A_2, %shift_right_arithmetic3A : i32
    %add3A_4 = arith.constant 1 : i32
    %add3A_5 = arith.addi %add3A, %add3A_4 : i32
    %mul3A_6 = arith.constant 625 : i32
    %mul3A_7 = arith.muli %mul3A_6, %add3A_5 : i32
    %shift_right_arithmetic3A_8 = arith.constant 3 : i32
    %shift_right_arithmetic3A_9 = arith.shrsi %mul3A_7, %shift_right_arithmetic3A_8 : i32
    %sub3A = arith.subi %shift_right_arithmetic3A_9, %shift_right_arithmetic3A_3 : i32
    %mul3A_10 = arith.constant 8 : i32
    %mul3A_11 = arith.muli %sub3A, %mul3A_10 : i32
    %mul3A_12 = arith.constant 128 : i32
    %mul3A_13 = arith.muli %shift_right_arithmetic3A_3, %mul3A_12 : i32
    %dma_start3A = arith.constant 0 : i32
    %dma_start3A_14 = arith.constant 0 : i32
    %dma_start3A_15 = tpu.memref_slice %arg2[%dma_start3A, %dma_start3A_14] : memref<1x10240xf32, #tpu.memory_space<hbm>> -> memref<1x10240xf32, #tpu.memory_space<hbm>>
    %dma_start3A_16 = tpu.memref_squeeze %dma_start3A_15 : memref<1x10240xf32, #tpu.memory_space<hbm>> -> memref<10240xf32, #tpu.memory_space<hbm>>
    %dma_start3A_17 = arith.constant 0 : i32
    %dma_start3A_18 = tpu.memref_slice %arg2[%dma_start3A, %dma_start3A_17] : memref<1x10240xf32, #tpu.memory_space<hbm>> -> memref<1x10240xf32, #tpu.memory_space<hbm>>
    %dma_start3A_19 = tpu.memref_squeeze %dma_start3A_18 : memref<1x10240xf32, #tpu.memory_space<hbm>> -> memref<10240xf32, #tpu.memory_space<hbm>>
    tpu.enqueue_dma source(%dma_start3A_19 : memref<10240xf32, #tpu.memory_space<hbm>>) target(%arg6 : memref<10240xf32, #tpu.memory_space<vmem>>) target_semaphore(%arg10 : memref<!tpu.dma_semaphore, #tpu.memory_space<semaphore_mem>>)
    %dma_start3A_20 = arith.constant 0 : i32
    %dma_start3A_21 = tpu.memref_slice %arg3[%dma_start3A_20, %mul3A_13] : memref<2x320000xi32, #tpu.memory_space<hbm>> -> memref<2x10112xi32, #tpu.memory_space<hbm>>
    %dma_start3A_22 = arith.constant 0 : i32
    %dma_start3A_23 = tpu.memref_slice %arg3[%dma_start3A_22, %mul3A_13] : memref<2x320000xi32, #tpu.memory_space<hbm>> -> memref<2x10112xi32, #tpu.memory_space<hbm>>
    tpu.enqueue_dma source(%dma_start3A_23 : memref<2x10112xi32, #tpu.memory_space<hbm>>) target(%arg7 : memref<2x10112xi32, #tpu.memory_space<vmem>>) target_semaphore(%arg11 : memref<!tpu.dma_semaphore, #tpu.memory_space<semaphore_mem>>)
    %dma_start3A_24 = tpu.memref_slice %arg4[%mul3A_13] : memref<320000xf32, #tpu.memory_space<hbm>> -> memref<10112xf32, #tpu.memory_space<hbm>>
    %dma_start3A_25 = tpu.memref_slice %arg4[%mul3A_13] : memref<320000xf32, #tpu.memory_space<hbm>> -> memref<10112xf32, #tpu.memory_space<hbm>>
    tpu.enqueue_dma source(%dma_start3A_25 : memref<10112xf32, #tpu.memory_space<hbm>>) target(%arg8 : memref<10112xf32, #tpu.memory_space<vmem>>) target_semaphore(%arg12 : memref<!tpu.dma_semaphore, #tpu.memory_space<semaphore_mem>>)
    %parallel_loop3A = arith.constant 0 : i32
    %parallel_loop3A_26 = arith.constant 625 : i32
    %parallel_loop3A_27 = arith.constant 1 : i32
    scf.for %parallel_loop3A_42 = %parallel_loop3A to %parallel_loop3A_26 step %parallel_loop3A_27  : i32 {
      %parallel_loop3A_43 = arith.constant 0.000000e+00 : f32
      %parallel_loop3A_44 = vector.broadcast %parallel_loop3A_43 : f32 to vector<16xf32>
      %parallel_loop3A_45 = arith.constant 16 : i32
      %parallel_loop3A_46 = arith.muli %parallel_loop3A_42, %parallel_loop3A_45 : i32
      %parallel_loop3A_47 = arith.index_cast %parallel_loop3A_46 : i32 to index
      %parallel_loop3A_48 = tpu.vector_load %arg9[%parallel_loop3A_47] {strides = array<i32>} : memref<10000xf32, #tpu.memory_space<vmem>>, vector<16xf32>,
      tpu.vector_store %arg9[%parallel_loop3A_47], %parallel_loop3A_44 {strides = array<i32>} : memref<10000xf32, #tpu.memory_space<vmem>>, vector<16xf32>,
    } {sc.loop_unroll_factor = 5 : i64, sc.parallel_access}
    %dma_wait3A = arith.constant 0 : i32
    %dma_wait3A_28 = arith.constant 0 : i32
    %dma_wait3A_29 = tpu.memref_slice %arg2[%dma_wait3A, %dma_wait3A_28] : memref<1x10240xf32, #tpu.memory_space<hbm>> -> memref<1x10240xf32, #tpu.memory_space<hbm>>
    %dma_wait3A_30 = tpu.memref_squeeze %dma_wait3A_29 : memref<1x10240xf32, #tpu.memory_space<hbm>> -> memref<10240xf32, #tpu.memory_space<hbm>>
    %dma_wait3A_31 = arith.constant 0 : i32
    %dma_wait3A_32 = tpu.memref_slice %arg2[%dma_wait3A, %dma_wait3A_31] : memref<1x10240xf32, #tpu.memory_space<hbm>> -> memref<1x10240xf32, #tpu.memory_space<hbm>>
    %dma_wait3A_33 = tpu.memref_squeeze %dma_wait3A_32 : memref<1x10240xf32, #tpu.memory_space<hbm>> -> memref<10240xf32, #tpu.memory_space<hbm>>
    tpu.wait_dma2 semaphore(%arg10 : memref<!tpu.dma_semaphore, #tpu.memory_space<semaphore_mem>>) src(%dma_wait3A_33 : memref<10240xf32, #tpu.memory_space<hbm>>) dst(%arg6 : memref<10240xf32, #tpu.memory_space<vmem>>)
    %dma_wait3A_34 = arith.constant 0 : i32
    %dma_wait3A_35 = tpu.memref_slice %arg3[%dma_wait3A_34, %mul3A_13] : memref<2x320000xi32, #tpu.memory_space<hbm>> -> memref<2x10112xi32, #tpu.memory_space<hbm>>
    %dma_wait3A_36 = arith.constant 0 : i32
    %dma_wait3A_37 = tpu.memref_slice %arg3[%dma_wait3A_36, %mul3A_13] : memref<2x320000xi32, #tpu.memory_space<hbm>> -> memref<2x10112xi32, #tpu.memory_space<hbm>>
    tpu.wait_dma2 semaphore(%arg11 : memref<!tpu.dma_semaphore, #tpu.memory_space<semaphore_mem>>) src(%dma_wait3A_37 : memref<2x10112xi32, #tpu.memory_space<hbm>>) dst(%arg7 : memref<2x10112xi32, #tpu.memory_space<vmem>>)
    %dma_wait3A_38 = tpu.memref_slice %arg4[%mul3A_13] : memref<320000xf32, #tpu.memory_space<hbm>> -> memref<10112xf32, #tpu.memory_space<hbm>>
    %dma_wait3A_39 = tpu.memref_slice %arg4[%mul3A_13] : memref<320000xf32, #tpu.memory_space<hbm>> -> memref<10112xf32, #tpu.memory_space<hbm>>
    tpu.wait_dma2 semaphore(%arg12 : memref<!tpu.dma_semaphore, #tpu.memory_space<semaphore_mem>>) src(%dma_wait3A_39 : memref<10112xf32, #tpu.memory_space<hbm>>) dst(%arg8 : memref<10112xf32, #tpu.memory_space<vmem>>)
    %parallel_loop3A_40 = arith.constant 0 : i32
    %parallel_loop3A_41 = arith.constant 1 : i32
    scf.for %parallel_loop3A_42 = %parallel_loop3A_40 to %mul3A_11 step %parallel_loop3A_41  : i32 {
      %parallel_loop3A_43 = arith.constant 16 : i32
      %parallel_loop3A_44 = arith.muli %parallel_loop3A_42, %parallel_loop3A_43 : i32
      %parallel_loop3A_45 = arith.constant 0 : i32
      %parallel_loop3A_46 = arith.index_cast %parallel_loop3A_45 : i32 to index
      %parallel_loop3A_47 = arith.index_cast %parallel_loop3A_44 : i32 to index
      %parallel_loop3A_48 = tpu.vector_load %arg7[%parallel_loop3A_46, %parallel_loop3A_47] {strides = array<i32>} : memref<2x10112xi32, #tpu.memory_space<vmem>>, vector<16xi32>,
      %parallel_loop3A_49 = arith.constant 1 : i32
      %parallel_loop3A_50 = arith.index_cast %parallel_loop3A_49 : i32 to index
      %parallel_loop3A_51 = arith.index_cast %parallel_loop3A_44 : i32 to index
      %parallel_loop3A_52 = tpu.vector_load %arg7[%parallel_loop3A_50, %parallel_loop3A_51] {strides = array<i32>} : memref<2x10112xi32, #tpu.memory_space<vmem>>, vector<16xi32>,
      %parallel_loop3A_53 = arith.index_cast %parallel_loop3A_44 : i32 to index
      %parallel_loop3A_54 = tpu.vector_load %arg8[%parallel_loop3A_53] {strides = array<i32>} : memref<10112xf32, #tpu.memory_space<vmem>>, vector<16xf32>,
      %parallel_loop3A_55 = tpu.vector_load_idx %arg6[%parallel_loop3A_52] : memref<10240xf32, #tpu.memory_space<vmem>>[vector<16xi32>], vector<16xf32>,
      %parallel_loop3A_56 = arith.mulf %parallel_loop3A_55, %parallel_loop3A_54 : vector<16xf32>
      tpu.vector_store_idx %arg9[%parallel_loop3A_48], %parallel_loop3A_56 {add = true} : memref<10000xf32, #tpu.memory_space<vmem>>[vector<16xi32>], vector<16xf32>,
    } {sc.loop_unroll_factor = 16 : i64, sc.parallel_access}
    "tpu.region"() ({
      %run_scoped3A = tpu.sem_alloc : memref<!tpu.dma_semaphore, #tpu.memory_space<semaphore_mem>>
      %dma_start3A_42 = arith.constant 0 : i32
      %dma_start3A_43 = tpu.memref_slice %arg5[%add3A, %dma_start3A_42] : memref<32x10000xf32, #tpu.memory_space<hbm>> -> memref<1x10000xf32, #tpu.memory_space<hbm>>
      %dma_start3A_44 = tpu.memref_squeeze %dma_start3A_43 : memref<1x10000xf32, #tpu.memory_space<hbm>> -> memref<10000xf32, #tpu.memory_space<hbm>>
      %dma_start3A_45 = arith.constant 0 : i32
      %dma_start3A_46 = tpu.memref_slice %arg5[%add3A, %dma_start3A_45] : memref<32x10000xf32, #tpu.memory_space<hbm>> -> memref<1x10000xf32, #tpu.memory_space<hbm>>
      %dma_start3A_47 = tpu.memref_squeeze %dma_start3A_46 : memref<1x10000xf32, #tpu.memory_space<hbm>> -> memref<10000xf32, #tpu.memory_space<hbm>>
      tpu.enqueue_dma source(%arg9 : memref<10000xf32, #tpu.memory_space<vmem>>) target(%dma_start3A_47 : memref<10000xf32, #tpu.memory_space<hbm>>) target_semaphore(%run_scoped3A : memref<!tpu.dma_semaphore, #tpu.memory_space<semaphore_mem>>)
      %dma_wait3A_48 = arith.constant 0 : i32
      %dma_wait3A_49 = tpu.memref_slice %arg5[%add3A, %dma_wait3A_48] : memref<32x10000xf32, #tpu.memory_space<hbm>> -> memref<1x10000xf32, #tpu.memory_space<hbm>>
      %dma_wait3A_50 = tpu.memref_squeeze %dma_wait3A_49 : memref<1x10000xf32, #tpu.memory_space<hbm>> -> memref<10000xf32, #tpu.memory_space<hbm>>
      %dma_wait3A_51 = arith.constant 0 : i32
      %dma_wait3A_52 = tpu.memref_slice %arg5[%add3A, %dma_wait3A_51] : memref<32x10000xf32, #tpu.memory_space<hbm>> -> memref<1x10000xf32, #tpu.memory_space<hbm>>
      %dma_wait3A_53 = tpu.memref_squeeze %dma_wait3A_52 : memref<1x10000xf32, #tpu.memory_space<hbm>> -> memref<10000xf32, #tpu.memory_space<hbm>>
      tpu.wait_dma2 semaphore(%run_scoped3A : memref<!tpu.dma_semaphore, #tpu.memory_space<semaphore_mem>>) src(%arg9 : memref<10000xf32, #tpu.memory_space<vmem>>) dst(%dma_wait3A_53 : memref<10000xf32, #tpu.memory_space<hbm>>)
      tpu.yield
    }) : () -> ()
    return
  }
}

module attributes {stable_mosaic.version = 14 : i64} {
  func.func @_dense_body(%arg0: i32, %arg1: memref<2560x128xf32, #tpu.memory_space<vmem>>, %arg2: memref<2560x128xf32, #tpu.memory_space<vmem>>, %arg3: memref<128x128xf32, #tpu.memory_space<vmem>>, %arg4: memref<1x128xf32, #tpu.memory_space<vmem>>, %arg5: memref<1x128xf32, #tpu.memory_space<vmem>>, %arg6: memref<1x5120xf32, #tpu.memory_space<vmem>>) attributes {dimension_semantics = [#tpu.dimension_semantics<arbitrary>], iteration_bounds = array<i64: 2>, scalar_prefetch = 0 : i64, scratch_operands = 0 : i64, tpu.core_type = #tpu.core_type<tc>, window_params = [{transform_indices = @transform_0, window_bounds = array<i64: 2560, 128>}, {transform_indices = @transform_1, window_bounds = array<i64: 2560, 128>}, {pipeline_mode = #tpu.pipeline_mode<synchronous>, transform_indices = @transform_2, window_bounds = array<i64: 128, 128>}, {pipeline_mode = #tpu.pipeline_mode<synchronous>, transform_indices = @transform_3, window_bounds = array<i64: 1, 128>}, {pipeline_mode = #tpu.pipeline_mode<synchronous>, transform_indices = @transform_4, window_bounds = array<i64: 1, 128>}, {transform_indices = @transform_5, window_bounds = array<i64: 1, 5120>}]} {
    %get3A = arith.constant 0 : index
    %get3A_0 = arith.constant 0 : index
    %get3A_1 = vector.load %arg1[%get3A, %get3A_0] : memref<2560x128xf32, #tpu.memory_space<vmem>>, vector<2560x128xf32>
    %get3A_2 = arith.constant 0 : index
    %get3A_3 = arith.constant 0 : index
    %get3A_4 = vector.load %arg3[%get3A_2, %get3A_3] : memref<128x128xf32, #tpu.memory_space<vmem>>, vector<128x128xf32>
    %dot_general3A = arith.constant dense<0.000000e+00> : vector<2560x128xf32>
    %dot_general3A_5 = tpu.matmul %get3A_1, %get3A_4, %dot_general3A {dimension_numbers = #tpu.dot_dimension_numbers<[1], [0], [0], [1], [0, 0, 1, 1], [], []>, transpose_lhs_hint = false} : vector<2560x128xf32>, vector<128x128xf32>, vector<2560x128xf32> -> vector<2560x128xf32>
    %get3A_6 = arith.constant 0 : index
    %get3A_7 = arith.constant 0 : index
    %get3A_8 = vector.load %arg4[%get3A_6, %get3A_7] : memref<1x128xf32, #tpu.memory_space<vmem>>, vector<1x128xf32>
    %add3A = vector.broadcast %get3A_8 : vector<1x128xf32> to vector<2560x128xf32>
    %add3A_9 = arith.addf %dot_general3A_5, %add3A : vector<2560x128xf32>
    %tanh3A = math.tanh %add3A_9 : vector<2560x128xf32>
    %get3A_10 = arith.constant 0 : index
    %get3A_11 = arith.constant 0 : index
    %get3A_12 = vector.load %arg5[%get3A_10, %get3A_11] : memref<1x128xf32, #tpu.memory_space<vmem>>, vector<1x128xf32>
    %dot_general3A_13 = arith.constant dense<0.000000e+00> : vector<1x2560xf32>
    %dot_general3A_14 = tpu.matmul %get3A_12, %tanh3A, %dot_general3A_13 {dimension_numbers = #tpu.dot_dimension_numbers<[1], [1], [0], [0], [0, 0, 1, 0], [], []>, transpose_lhs_hint = false} : vector<1x128xf32>, vector<2560x128xf32>, vector<1x2560xf32> -> vector<1x2560xf32>
    %swap3A = arith.constant 0 : index
    %swap3A_15 = arith.constant 0 : index
    %swap3A_16 = vector.load %arg6[%swap3A, %swap3A_15] : memref<1x5120xf32, #tpu.memory_space<vmem>>, vector<1x2560xf32>
    tpu.vector_store %arg6[%swap3A, %swap3A_15], %dot_general3A_14 {strides = array<i32>} : memref<1x5120xf32, #tpu.memory_space<vmem>>, vector<1x2560xf32>,
    %get3A_17 = arith.constant 0 : index
    %get3A_18 = arith.constant 0 : index
    %get3A_19 = vector.load %arg2[%get3A_17, %get3A_18] : memref<2560x128xf32, #tpu.memory_space<vmem>>, vector<2560x128xf32>
    %get3A_20 = arith.constant 0 : index
    %get3A_21 = arith.constant 0 : index
    %get3A_22 = vector.load %arg3[%get3A_20, %get3A_21] : memref<128x128xf32, #tpu.memory_space<vmem>>, vector<128x128xf32>
    %dot_general3A_23 = arith.constant dense<0.000000e+00> : vector<2560x128xf32>
    %dot_general3A_24 = tpu.matmul %get3A_19, %get3A_22, %dot_general3A_23 {dimension_numbers = #tpu.dot_dimension_numbers<[1], [0], [0], [1], [0, 0, 1, 1], [], []>, transpose_lhs_hint = false} : vector<2560x128xf32>, vector<128x128xf32>, vector<2560x128xf32> -> vector<2560x128xf32>
    %get3A_25 = arith.constant 0 : index
    %get3A_26 = arith.constant 0 : index
    %get3A_27 = vector.load %arg4[%get3A_25, %get3A_26] : memref<1x128xf32, #tpu.memory_space<vmem>>, vector<1x128xf32>
    %add3A_28 = vector.broadcast %get3A_27 : vector<1x128xf32> to vector<2560x128xf32>
    %add3A_29 = arith.addf %dot_general3A_24, %add3A_28 : vector<2560x128xf32>
    %tanh3A_30 = math.tanh %add3A_29 : vector<2560x128xf32>
    %get3A_31 = arith.constant 0 : index
    %get3A_32 = arith.constant 0 : index
    %get3A_33 = vector.load %arg5[%get3A_31, %get3A_32] : memref<1x128xf32, #tpu.memory_space<vmem>>, vector<1x128xf32>
    %dot_general3A_34 = arith.constant dense<0.000000e+00> : vector<1x2560xf32>
    %dot_general3A_35 = tpu.matmul %get3A_33, %tanh3A_30, %dot_general3A_34 {dimension_numbers = #tpu.dot_dimension_numbers<[1], [1], [0], [0], [0, 0, 1, 0], [], []>, transpose_lhs_hint = false} : vector<1x128xf32>, vector<2560x128xf32>, vector<1x2560xf32> -> vector<1x2560xf32>
    %swap3A_36 = arith.constant 0 : index
    %swap3A_37 = arith.constant 2560 : index
    %swap3A_38 = vector.load %arg6[%swap3A_36, %swap3A_37] : memref<1x5120xf32, #tpu.memory_space<vmem>>, vector<1x2560xf32>
    tpu.vector_store %arg6[%swap3A_36, %swap3A_37], %dot_general3A_35 {strides = array<i32>} : memref<1x5120xf32, #tpu.memory_space<vmem>>, vector<1x2560xf32>,
    return
  }
  func.func @transform_0(%arg0: i32) -> (i32, i32) {
    %mul3A = arith.constant 2 : i32
    %mul3A_0 = arith.muli %mul3A, %arg0 : i32
    %c0_i32 = arith.constant 0 : i32
    %c0_i32_1 = arith.constant 0 : i32
    return %mul3A_0, %c0_i32 : i32, i32
  }
  func.func @transform_1(%arg0: i32) -> (i32, i32) {
    %mul3A = arith.constant 2 : i32
    %mul3A_0 = arith.muli %mul3A, %arg0 : i32
    %add3A = arith.constant 1 : i32
    %add3A_1 = arith.addi %mul3A_0, %add3A : i32
    %c0_i32 = arith.constant 0 : i32
    %c0_i32_2 = arith.constant 0 : i32
    return %add3A_1, %c0_i32 : i32, i32
  }
  func.func @transform_2(%arg0: i32) -> (i32, i32) {
    %c0_i32 = arith.constant 0 : i32
    %c0_i32_0 = arith.constant 0 : i32
    %c0_i32_1 = arith.constant 0 : i32
    return %c0_i32, %c0_i32_0 : i32, i32
  }
  func.func @transform_3(%arg0: i32) -> (i32, i32) {
    %c0_i32 = arith.constant 0 : i32
    %c0_i32_0 = arith.constant 0 : i32
    %c0_i32_1 = arith.constant 0 : i32
    return %c0_i32, %c0_i32_0 : i32, i32
  }
  func.func @transform_4(%arg0: i32) -> (i32, i32) {
    %c0_i32 = arith.constant 0 : i32
    %c0_i32_0 = arith.constant 0 : i32
    %c0_i32_1 = arith.constant 0 : i32
    return %c0_i32, %c0_i32_0 : i32, i32
  }
  func.func @transform_5(%arg0: i32) -> (i32, i32) {
    %c0_i32 = arith.constant 0 : i32
    %c0_i32_0 = arith.constant 0 : i32
    return %c0_i32, %arg0 : i32, i32
  }
}

module attributes {stable_mosaic.version = 14 : i64} {
  func.func @_reduce_body(%arg0: memref<32x10000xf32, #tpu.memory_space<vmem>>, %arg1: memref<1x1xf32, #tpu.memory_space<vmem>>, %arg2: memref<1x10000xf32, #tpu.memory_space<vmem>>) attributes {dimension_semantics = [], scalar_prefetch = 0 : i64, scratch_operands = 0 : i64, tpu.core_type = #tpu.core_type<tc>} {
    %get3A = arith.constant 0 : index
    %get3A_0 = arith.constant 0 : index
    %get3A_1 = vector.load %arg0[%get3A, %get3A_0] : memref<32x10000xf32, #tpu.memory_space<vmem>>, vector<32x10000xf32>
    %reduce_sum3A = arith.constant dense<0.000000e+00> : vector<10000xf32>
    %reduce_sum3A_2 = vector.multi_reduction <add>, %get3A_1, %reduce_sum3A [0] : vector<32x10000xf32> to vector<10000xf32>
    %broadcast_in_dim3A = vector.shape_cast %reduce_sum3A_2 : vector<10000xf32> to vector<1x10000xf32>
    %get3A_3 = arith.constant 0 : index
    %get3A_4 = arith.constant 0 : index
    %get3A_5 = vector.load %arg1[%get3A_3, %get3A_4] : memref<1x1xf32, #tpu.memory_space<vmem>>, vector<1x1xf32>
    %add3A = vector.broadcast %get3A_5 : vector<1x1xf32> to vector<1x10000xf32>
    %add3A_6 = arith.addf %broadcast_in_dim3A, %add3A : vector<1x10000xf32>
    %swap3A = arith.constant 0 : index
    %swap3A_7 = arith.constant 0 : index
    %swap3A_8 = vector.load %arg2[%swap3A, %swap3A_7] : memref<1x10000xf32, #tpu.memory_space<vmem>>, vector<1x10000xf32>
    tpu.vector_store %arg2[%swap3A, %swap3A_7], %add3A_6 {strides = array<i32>} : memref<1x10000xf32, #tpu.memory_space<vmem>>, vector<1x10000xf32>,
    return
  }
}

</mosaic_0001>

<sc_bundles>
// kernel: kernel.5.cloned.1.call-start
scs
__scs_entry_jumppad:
0x0: {  	(pc) =	sbr.rel $0x88, $3  }
0x1: {  	(tag) =	ssettag $0x0;
	lr =	simm.s32 $0x1  }
0x2: {  	[smem:$0x3F9A] =	sst lr;
	_ =	strace $0xD0000000  }
0x3: {  	_ = 	snop  }
0x4: {  	_ = 	snop  }
0x5: {  	_ = 	snop  }
0x6: {  	_ = 	snop  }
0x7: {  	_ = 	snop  }
__scs_overlays_trampoline_lowered:
0x8: {  	[smem:$0x3FA9] =	sst s0  }
0x9: {  	[smem:$0x3FAA] =	sst s1  }
0xa: {  	[smem:$0x3FAB] =	sst s2  }
0xb: {  	[smem:$0x3FAC] =	sst s3  }
0xc: {  	[smem:$0x3FAD] =	sst s4  }
0xd: {  	[smem:$0x3FAE] =	sst s5  }
0xe: {  	[smem:$0x3FAF] =	sst s6  }
0xf: {  	[smem:$0x3FB0] =	sst s7  }
0x10: {  	[smem:$0x3FB1] =	sst s8  }
0x11: {  	[smem:$0x3FB2] =	sst s9;
	s0 =	simm.s32 @!p0 $0x0  }
0x12: {  	s1 =	sld [smem:$0x3F98];
	s0 =	simm.s32 @p0 $0x1  }
0x13: {  	[smem:$0x3FB3] =	sst s0;
	s0 =	simm.s32 @!p1 $0x0  }
0x14: {  	s2 =	sld [smem:$0x3F97];
	s0 =	simm.s32 @p1 $0x1  }
0x15: {  	[smem:$0x3FB4] =	sst s0;
	s0 =	simm.s32 @!p2 $0x0  }
0x16: {  	s3 =	sld [smem:$0x3FDB];
	s0 =	simm.s32 @p2 $0x1  }
0x17: {  	s4 =	simm.s32 $0x1BF5;
	[smem:$0x3FB6] =	sst s0  }
0x18: {  	s0 =	sld [smem:$0x3F99];
	_ =	swait.ge [sflag:s4], $0x0  }
0x19: {  	s7 =	sld [smem:$0x3F9A]  }
0x1a: {  	s8 =	sadd.s32 $0xFFFFE003, lr  }
0x1b: {  	s9 =	sadd.s32 $0xFFFFFEF7, lr;
	s5 =	simm.s32 $0xFFFFFFFF;
	p2 =	slt.u32 s8, $0xFFFFF086  }
0x1c: {  	p1 =	slt.u32 s9, $0xF7A;
	s5 =	simm.s32 @!p2 $0x0  }
0x1d: {  	s5 =	simm.s32 @p1 $0x1;
	p0 =	seq.s32 s7, s2  }
0x1e: {  	s7 =	smul.u32 @!p0 $0xF7A, s2;
	p2 =	seq.s32 @!p0 s5, $0x0  }
0x1f: {  	s9 =	smul.u32 $0xF7A, s1;
	s8 =	simm.s32 @!p0 $0x1BF5;
	p2 =	por !p2, p0  }
0x20: {  	[sflag:s8] =	ssyncset.s32 @!p0 $0xFFFFF086;
	s6 =	sadd.s32 @!p0 s3, s7;
	s7 =	simm.s32 @!p0 $0x108  }
0x21: {  	s3 =	sadd.s32 s3, s9;
	s6 =	sadd.s32 @!p0 $0x88, s6;
	s7 =	simm.s32 @p2 $0x1082  }
0x22: {  	[simem:s7], [sflag:s8] =	dma.local @!p0 [hbm:s6], $0xF7A  }
0x23: {  	s9 =	sor.u32 $0xD0000000, s2;
	s6 =	simm.s32 $0x108;
	_ =	swait.ge @!p0 [sflag:s8], $0x0  }
0x24: {  	s3 =	sadd.s32 $0x88, s3;
	s6 =	simm.s32 @!p1 $0x1082;
	[sflag:s4] =	ssyncset.s32 $0xFFFFF086  }
0x25: {  	[simem:s6], [sflag:s4] =	dma.local [hbm:s3], $0xF7A  }
0x26: {  	[smem:$0x3F9A] =	sst s1;
	(tag) =	ssettag s2;
	_ =	strace s9  }
0x27: {  	s1 =	sld [smem:$0x3FAA]  }
0x28: {  	s2 =	sld [smem:$0x3FAB]  }
0x29: {  	s4 =	sld [smem:$0x3FAD]  }
0x2a: {  	p0 =	seq.s32 s5, $0x0;
	s5 =	sld [smem:$0x3FAE]  }
0x2b: {  	s6 =	sld [smem:$0x3FAF]  }
0x2c: {  	s7 =	sld [smem:$0x3FB0]  }
0x2d: {  	s3 =	simm.s32 $0x108;
	s8 =	sld [smem:$0x3FB1]  }
0x2e: {  	s3 =	simm.s32 @!p0 $0x1082;
	s9 =	sld [smem:$0x3FB2]  }
0x2f: {  	lr =	sadd.s32 s0, s3;
	s0 =	sld [smem:$0x3FA9]  }
0x30: {  	s3 =	sld [smem:$0x3FAC]  }
0x31: {  	[smem:$0x3FB5] =	sst s10  }
0x32: {  	s10 =	sld [smem:$0x3FB3];
	_ =	sdelay $0x3  }
0x33: {  	p0 =	seq.s32 s10, $0x1;
	s10 =	sld [smem:$0x3FB5];
	_ =	sdelay $0x3  }
0x34: {  	[smem:$0x3FB5] =	sst s10  }
0x35: {  	s10 =	sld [smem:$0x3FB4];
	_ =	sdelay $0x3  }
0x36: {  	p1 =	seq.s32 s10, $0x1;
	s10 =	sld [smem:$0x3FB5];
	_ =	sdelay $0x3  }
0x37: {  	[smem:$0x3FB5] =	sst s10  }
0x38: {  	s10 =	sld [smem:$0x3FB6]  }
0x39: {  	_ = 	snop;
	(pc) =	sbr.ind lr, $3  }
0x3a: {  	_ = 	snop  }
0x3b: {  	_ = 	snop  }
0x3c: {  	p2 =	seq.s32 s10, $0x1;
	s10 =	sld [smem:$0x3FB5]  }
0x3d: {  	_ =	shalt  }
0x3e: {  	_ =	shalt  }
0x3f: {  	_ =	shalt  }
0x40: {  	_ =	shalt  }
0x41: {  	_ =	shalt  }
0x42: {  	_ =	shalt  }
0x43: {  	_ =	shalt  }
0x44: {  	_ =	shalt  }
0x45: {  	_ =	shalt  }
0x46: {  	_ =	shalt  }
0x47: {  	_ =	shalt  }
0x48: {  	_ =	shalt  }
0x49: {  	_ =	shalt  }
0x4a: {  	_ =	shalt  }
0x4b: {  	_ =	shalt  }
0x4c: {  	_ =	shalt  }
0x4d: {  	_ =	shalt  }
0x4e: {  	_ =	shalt  }
0x4f: {  	_ =	shalt  }
0x50: {  	_ =	shalt  }
0x51: {  	_ =	shalt  }
0x52: {  	_ =	shalt  }
0x53: {  	_ =	shalt  }
0x54: {  	_ =	shalt  }
0x55: {  	_ =	shalt  }
0x56: {  	_ =	shalt  }
0x57: {  	_ =	shalt  }
0x58: {  	_ =	shalt  }
0x59: {  	_ =	shalt  }
0x5a: {  	_ =	shalt  }
0x5b: {  	_ =	shalt  }
0x5c: {  	_ =	shalt  }
0x5d: {  	_ =	shalt  }
0x5e: {  	_ =	shalt  }
0x5f: {  	_ =	shalt  }
0x60: {  	_ =	shalt  }
0x61: {  	_ =	shalt  }
0x62: {  	_ =	shalt  }
0x63: {  	_ =	shalt  }
0x64: {  	_ =	shalt  }
0x65: {  	_ =	shalt  }
0x66: {  	_ =	shalt  }
0x67: {  	_ =	shalt  }
0x68: {  	_ =	shalt  }
0x69: {  	_ =	shalt  }
0x6a: {  	_ =	shalt  }
0x6b: {  	_ =	shalt  }
0x6c: {  	_ =	shalt  }
0x6d: {  	_ =	shalt  }
0x6e: {  	_ =	shalt  }
0x6f: {  	_ =	shalt  }
0x70: {  	_ =	shalt  }
0x71: {  	_ =	shalt  }
0x72: {  	_ =	shalt  }
0x73: {  	_ =	shalt  }
0x74: {  	_ =	shalt  }
0x75: {  	_ =	shalt  }
0x76: {  	_ =	shalt  }
0x77: {  	_ =	shalt  }
0x78: {  	_ =	shalt  }
0x79: {  	_ =	shalt  }
0x7a: {  	_ =	shalt  }
0x7b: {  	_ =	shalt  }
0x7c: {  	_ =	shalt  }
0x7d: {  	_ =	shalt  }
0x7e: {  	_ =	shalt  }
0x7f: {  	_ =	shalt  }
0x80: {  	_ =	shalt  }
0x81: {  	_ =	shalt  }
0x82: {  	_ =	shalt  }
0x83: {  	_ =	shalt  }
0x84: {  	_ =	shalt  }
0x85: {  	_ =	shalt  }
0x86: {  	_ =	shalt  }
0x87: {  	_ =	shalt  }
.Lfunc_end0:
.L_simem_size_0:
called_computation_lowered:
.L_overlay_start_0:
0x88: {  	s2 =	sld [smem:$0x3FD9]  }
0x89: {  	s3 =	sld [smem:$0x3FFE];
	_ =	sdelay $0x1  }
0x8a: {  	s1 =	srdreg.scid  }
0x8b: {  	s0 =	sand.u32 $0x1, s1  }
0x8c: {  	s17 =	sshll.u32 s0, $0xA;
	s2 =	sadd.s32 s3, s2  }
0x8d: {  	s2 =	sadd.s32 s2, s17  }
0x8e: {  	[smem:$0x3FC1] =	sst s2  }
0x8f: {  	_ = 	snop  }
0x90: {  	s2 =	sld [smem:$0x3FC8]  }
0x91: {  	s18 =	sld [smem:$0x3FC7];
	(tm) =	ssettm $0x1  }
0x92: {  	s4 =	sld [smem:$0x3FFB];
	_ =	sdelay $0x3  }
0x93: {  	_ =	strace s4  }
0x94: {  	s4 =	sld [smem:$0x3FFC];
	_ =	sdelay $0x3  }
0x95: {  	_ =	strace s4  }
0x96: {  	s4 =	sld [smem:$0x3FFD];
	_ =	sdelay $0x3  }
0x97: {  	_ =	strace s4  }
0x98: {  	_ =	strace $0x8FFFFFFF  }
0x99: {  	s19 =	sld [smem:$0x3FDB];
	_ =	sdelay $0x1  }
0x9a: {  	s5 =	simm.s32 $_scs_section_size  }
0x9b: {  	s6 =	simm.s32 $_size__tile_overlayer_lowered;
	s7 =	simm.s32 $_tile_overlayer_lowered  }
0x9c: {  	s22 =	simm.s32 $0x1BFF;
	s21 =	sshll.u32 s7, $0x1;
	s4 =	sadd.s32 s5, s19  }
0x9d: {  	s8 =	simm.s32 $0x0;
	s20 =	sshll.u32 s6, $0x1;
	s6 =	sadd.s32 s21, s4  }
0x9e: {  	[timem:s8], [sflag:s22] =	dma.local [hbm:s6], s20  }
0x9f: {  	_ =	swait.ge [sflag:s22], s20  }
0xa0: {  	s5 =	ssub.s32 $0x0, s20;
	[sflag:s22] =	ssyncset.done $0x0  }
0xa1: {  	[sflag:s22] =	ssyncadd.s32 s5;
	_ =	sdelay $0x1  }
0xa2: {  	s23 =	simm.s32 $0x1B8B  }
0xa3: {  	_ =	swait.ge [sflag:s23], $0x1  }
0xa4: {  	[sflag:s23] =	ssyncset.done $0x0  }
0xa5: {  	s25 =	simm.s32 $0x1B8E;
	s24 =	sld [smem:$0x3FFE];
	[sflag:s23] =	ssyncadd.s32 $0xFFFFFFFF  }
0xa6: {  	s26 =	simm.s32 $execute0_lowered;
	[smem:$0x3FD2] =	sst s25  }
0xa7: {  	s6 =	sshll.u32 s26, $0x1;
	_ =	strace $0x80000046;
	[dreg:$0x1] =	wrdreg $0xFFFFFFFF  }
0xa8: {  	s28 =	simm.s32 $_size_execute0_lowered;
	s4 =	sadd.s32 s4, s6;
	[dreg:$0x0] =	wrdreg $0x0  }
0xa9: {  	s6 =	sshll.u32 s28, $0x1;
	[dreg:$0x2] =	wrdreg s4  }
0xaa: {  	[dreg:$0x3] =	wrdreg s6  }
0xab: {  	[dreg:$0x4] =	wrdreg $0xC0  }
0xac: {  	_ =	task [dreg:s8], $0x5FFFF  }
0xad: {  	[dreg:$0x1] =	wrdreg $0xFFFFFFFF  }
0xae: {  	[dreg:$0x0] =	wrdreg $0x60  }
0xaf: {  	[dreg:$0x2] =	wrdreg s24  }
0xb0: {  	[dreg:$0x3] =	wrdreg s2  }
0xb1: {  	[dreg:$0x4] =	wrdreg s18  }
0xb2: {  	[dreg:$0x5] =	wrdreg $0x9  }
0xb3: {  	_ =	task.clear_ibuf [dreg:s8], $0x6FFFF;
	_ =	strace $0x90000046  }
0xb4: {  	s29 =	simm.s32 $0x9;
	_ =	strace $0x80000048  }
0xb5: {  	_ =	swait.ge [sflag:s29], $0x1  }
0xb6: {  	[sflag:s29] =	ssyncadd.s32 $0xFFFFFFFF  }
0xb7: {  	_ =	strace $0x90000048  }
0xb8: {  	_ =	sfence  }
0xb9: {  	s30 =	sld [smem:$0x0];
	_ =	sdelay $0x2  }
0xba: {  	s31 =	sshll.u32 s1, $0xD;
	s1 =	sshrl.u32 s1, $0x2  }
0xbb: {  	s3 =	sand.u32 $0x4000, s31;
	s1 =	sadd.s32 s1, s30  }
0xbc: {  	s0 =	sor.u32 s3, s0;
	s1 =	sshll.u32 s1, $0x11  }
0xbd: {  	s0 =	sor.u32 s1, s0  }
0xbe: {  	s0 =	sadd.s32 $0x8F2B, s0  }
0xbf: {  	[sflag:s0] =	ssyncadd.remote.s32 $0x1  }
0xc0: {  	_ =	sfence.sel $0xFFFF  }
0xc1: {  	[dreg:$0x0] =	wrdreg $0xFFFFFFFF;
	(pc) =	sbr.abs _section_cstart, $3  }
0xc2: {  	[dreg:$0x1] =	wrdreg $0xFFFFFFFF  }
0xc3: {  	_ =	task.clear_ibuf [dreg:s8], $0x2FFFF;
	_ =	strace $0x9FFFFFFF  }
0xc4: {  	(tm) =	ssettm $0x7FFFFFFF  }
0xc5: {  	_ =	shalt  }
tec
execute0_lowered:
.L_overlay_start_1:
0x0: {  	(tag) =	ssettag $0x1  }
0x1: {  	s4 =	rddreg [dreg:$0x0]  }
0x2: {  	s5 =	rddreg [dreg:$0x1]  }
0x3: {  	s0 =	srdreg.scid;
	s6 =	rddreg [dreg:$0x2];
	s2 =	simm.s32 $0x0  }
0x4: {  	p0 =	por $0x0, $0x0;
	s16 =	simm.s32 $0x3;
	s17 =	simm.s32 $0x9E80  }
0x5: {  	s19 =	simm.s32 $0x400;
	s20 =	simm.s32 $0x4;
	s21 =	simm.s32 $0x0  }
0x6: {  	s3 =	sand.u32 $0x1, s0;
	s0 =	stileid.u32;
	[smem:$0x7FF] =	sst s2  }
0x7: {  	s1 =	sshll.u32 s3, $0x4;
	s9 =	sshll.u32 s0, $0x7;
	s23 =	ssub.s32 $0x2, s3  }
0x8: {  	s10 =	smul.u32 $0x271, s0;
	s3 =	sadd.s32 $0x1000, s4;
	s7 =	sor.u32 s0, s1  }
0x9: {  	s1 =	rddreg [dreg:$0x3];
	_ =	strace $0x80000047;
	s9 =	sand.u32 $0x380, s9  }
0xa: {  	s8 =	sshrl.u32 s7, $0x3;
	s7 =	smul.u32 $0x2710, s7;
	s24 =	sand.u32 $0x7, s10  }
0xb: {  	s11 =	sshrl.u32 s23, $0x1;
	s8 =	smul.u32 $0x13C00, s8;
	s26 =	sadd.s32 $0x271, s24  }
0xc: {  	s25 =	sshrl.u32 s7, $0x2;
	s7 =	sshrl.u32 s7, $0x3;
	s18 =	sand.u32 $0x278, s26  }
0xd: {  	s29 =	sshrl.u32 s26, $0x3;
	s8 =	sor.u32 s9, s8;
	s9 =	ssub.s32 s23, s11  }
0xe: {  	s28 =	sand.u32 $0x1FFE0, s25;
	s7 =	sand.u32 $0xFFF0, s7;
	s30 =	sshll.u32 s29, $0x9  }
0xf: {  	s12 =	sshll.u32 s29, $0x8;
	s14 =	sshll.u32 s29, $0x7;
	s8 =	sshrl.u32 s8, $0x3  }
0x10: {  	p1 =	sle.s32 s18, $0x270;
	s18 =	simm.s32 $0x80;
	s8 =	sadd.s32 s8, s4  }
0x11: {  	s4 =	sadd.s32 s5, s28;
	s5 =	sadd.s32 s6, s7;
	s6 =	sand.u32 $0x8, s26  }
.Ltmp0:
0x12: {  	s7 =	sadd.s32 $0x1600, s8;
	s31 =	sshll.u32 s6, $0x6;
	(pc) =	sbr.rel .LBB2_1-.Ltmp0, $4  }
0x13: {  	s8 =	smax.u32 s9, $0x1;
	s13 =	sshll.u32 s6, $0x5;
	s9 =	ssub.s32 s30, s31  }
0x14: {  	s15 =	sshll.u32 s6, $0x4;
	s11 =	sshrl.u32 s9, $0x2;
	s9 =	ssub.s32 s12, s13  }
0x15: {  	s12 =	simm.s32 $0x2800;
	s13 =	simm.s32 $0x7700;
	s10 =	sadd.s32 $0x7700, s11  }
0x16: {  	v0 =	vimm.f32 $0.0e+00;
	s11 =	ssub.s32 s14, s15;
	s14 =	simm.s32 $0x1;
	s15 =	simm.s32 $0x2  }
.LBB2_9:
0x17: {  	s21 =	sadd.s32 $0x1, s21  }
0x18: {  	p2 =	sne.s32 s21, s8  }
.Ltmp1:
0x19: {  	_ = 	snop;
	(pc) =	sbr.rel @!p2 .LBB2_10-.Ltmp1, $4  }
0x1a: {  	[hbm4b:s7+s18] =	stream.strided.scatter [tilespmem:s17], [sflag:$0x4], $0x2780, s19, s18, $0x38;
	[tilespmem:$0xC600] =	vst v63  }
0x1b: {  	_ =	swait.ge [sflag:s20], $0x2780  }
0x1c: {  	[sflag:s20] =	ssyncset.done $0x0  }
0x1d: {  	[sflag:s20] =	ssyncadd.s32 $0xFFFFD880  }
.LBB2_1:
0x1e: {  	[tilespmem:s2], [sflag:$0x1] =	stream.linear.gather [hbm4b:s3+s2], $0x2800, $0x38;
	[tilespmem:$0xC600] =	vst v63  }
0x1f: {  	_ = 	snop  }
0x20: {  	[tilespmem:s12], [sflag:$0x2] =	stream.linear.gather [hbm4b:s4+s2], $0x4F00, $0x38;
	[tilespmem:$0xC600] =	vst v63  }
0x21: {  	s22 =	simm.s32 $0x9EA0  }
0x22: {  	[tilespmem:s13], [sflag:$0x3] =	stream.linear.gather [hbm4b:s5+s2], $0x2780, $0x38;
	[tilespmem:$0xC600] =	vst v63  }
0x23: {  	[tilespmem:s22+$0xFFFFFFE0] =	vst v0  }
0x24: {  	[tilespmem:s22+$0x20] =	vst v0  }
0x25: {  	[tilespmem:s22+$0x10] =	vst v0  }
0x26: {  	s23 =	simm.s32 $0x0;
	[tilespmem:s22+$0x0] =	vst v0  }
.LBB2_2:
0x27: {  	s23 =	sadd.s32 $0x5, s23  }
0x28: {  	[tilespmem:s22+$0xFFFFFFF0] =	vst v0;
	s22 =	sadd.s32 $0x50, s22;
	p2 =	slt.u32 s23, $0x26C  }
.Ltmp2:
0x29: {  	[tilespmem:s22+$0xFFFFFFE0] =	vst v0;
	(pc) =	sbr.rel @p2 .LBB2_2-.Ltmp2, $4  }
0x2a: {  	_ = 	snop  }
0x2b: {  	[tilespmem:s22+$0x20] =	vst v0  }
0x2c: {  	[tilespmem:s22+$0x10] =	vst v0  }
0x2d: {  	[tilespmem:s22+$0x0] =	vst v0  }
0x2e: {  	[tilespmem:s22+$0xFFFFFFF0] =	vst v0  }
0x2f: {  	_ =	swait.ge [sflag:s14], $0x2800  }
0x30: {  	[sflag:s14] =	ssyncset.done $0x0  }
0x31: {  	[sflag:s14] =	ssyncadd.s32 $0xFFFFD800  }
0x32: {  	_ =	swait.ge [sflag:s15], $0x4F00  }
.Ltmp3:
0x33: {  	[sflag:s15] =	ssyncset.done $0x0;
	(pc) =	sbr.rel @p0 .LBB2_7-.Ltmp3, $4  }
0x34: {  	[sflag:s15] =	ssyncadd.s32 $0xFFFFB100  }
0x35: {  	_ =	swait.ge [sflag:s16], $0x2780  }
0x36: {  	[sflag:s16] =	ssyncset.done $0x0  }
0x37: {  	[sflag:s16] =	ssyncadd.s32 $0xFFFFD880  }
0x38: {  	s22 =	simm.s32 $0x2880  }
0x39: {  	v13 =	vld [tilespmem:s22+$0x40]  }
0x3a: {  	v14 =	vld [tilespmem:s22+$0x50]  }
0x3b: {  	s23 =	simm.s32 $0x7740;
	v15 =	vld [tilespmem:s22+$0xFFFFFFF0]  }
0x3c: {  	v16 =	vld [tilespmem:s23+$0x30]  }
0x3d: {  	v17 =	vld [tilespmem:s22+$0x60]  }
0x3e: {  	v49 =	vld [tilespmem:s23+$0xFFFFFFD0]  }
0x3f: {  	v50 =	vld [tilespmem:s22+$0xFFFFFF90]  }
0x40: {  	v51 =	vld [tilespmem:s23+$0xFFFFFFE0]  }
0x41: {  	v18 =	vld [tilespmem:s23+$0xFFFFFFF0]  }
0x42: {  	v19 =	vld [tilespmem:s23+$0x0]  }
0x43: {  	v20 =	vld [tilespmem:s22+$0xFFFFFFA0]  }
0x44: {  	v21 =	vld [tilespmem:s23+$0x10]  }
0x45: {  	v52 =	vld [tilespmem:s23+$0x20]  }
0x46: {  	s24 =	simm.s32 $0x0;
	v22 =	vld [tilespmem:s22+$0xFFFFFFB0]  }
0x47: {  	s25 =	sor.u32 $0x1, s24;
	v53 =	vld [tilespmem:s22+$0xFFFFFFD0]  }
0x48: {  	v54 =	vld [tilespmem:s22+$0xFFFFFFE0];
	s24 =	sshll.u32 s25, $0xA  }
0x49: {  	v55 =	vld [tilespmem:s23+$0xFFFFFFC0];
	s24 =	sshra.s32 s24, $0x2  }
0x4a: {  	v1 =	vld [tilespmem:s24+$0x28F0]  }
0x4b: {  	v2 =	vld [tilespmem:s24+$0x2880]  }
0x4c: {  	v3 =	vld [tilespmem:s24+$0x2890]  }
0x4d: {  	v4 =	vld [tilespmem:s24+$0x28A0]  }
0x4e: {  	v5 =	vld [tilespmem:s24+$0x28B0]  }
0x4f: {  	s25 =	sshll.u32 s25, $0x9;
	v6 =	vld [tilespmem:s24+$0x28C0]  }
0x50: {  	s25 =	sshra.s32 s25, $0x2;
	v7 =	vld [tilespmem:s24+$0x2870]  }
0x51: {  	v8 =	vld [tilespmem:s25+$0x7770]  }
0x52: {  	v9 =	vld [tilespmem:s24+$0x28D0]  }
0x53: {  	v10 =	vld [tilespmem:s24+$0x28E0]  }
0x54: {  	v58 =	vld [tilespmem:s25+$0x7740]  }
0x55: {  	v59 =	vld [tilespmem:s25+$0x7750]  }
0x56: {  	v60 =	vld [tilespmem:s24+$0x2800]  }
0x57: {  	v61 =	vld [tilespmem:s24+$0x2810]  }
0x58: {  	v62 =	vld [tilespmem:s25+$0x7760]  }
0x59: {  	v13 =	vld.idx.msk [tilespmem:v13+s2+$0x0], $0xffff  }
0x5a: {  	v1 =	vld.idx.msk [tilespmem:v1+s2+$0x0], $0xffff  }
0x5b: {  	v48 =	vld.idx.msk [tilespmem:v17+s2+$0x0], $0xffff  }
0x5c: {  	v12 =	vld.idx.msk [tilespmem:v4+s2+$0x0], $0xffff  }
0x5d: {  	v4 =	vld [tilespmem:s22+$0x10]  }
0x5e: {  	v2 =	vld.idx.msk [tilespmem:v2+s2+$0x0], $0xffff  }
0x5f: {  	v1 =	vmul.f32 v1, v8;
	v8 =	vld.idx.msk [tilespmem:v5+s2+$0x0], $0xffff  }
0x60: {  	v5 =	vld [tilespmem:s22+$0x20]  }
0x61: {  	[tilespmem:v7+s17+$0x0] =	vst.idx.add.f32.msk $0xffff, v1  }
0x62: {  	v1 =	vld [tilespmem:s22+$0x70]  }
0x63: {  	v7 =	vld [tilespmem:s22+$0x30]  }
0x64: {  	v11 =	vld.idx.msk [tilespmem:v3+s2+$0x0], $0xffff  }
0x65: {  	v4 =	vld.idx.msk [tilespmem:v4+s2+$0x0], $0xffff  }
0x66: {  	v3 =	vld [tilespmem:s22+$0x0]  }
0x67: {  	v56 =	vld.idx.msk [tilespmem:v6+s2+$0x0], $0xffff  }
0x68: {  	v57 =	vld.idx.msk [tilespmem:v9+s2+$0x0], $0xffff  }
0x69: {  	v5 =	vld.idx.msk [tilespmem:v5+s2+$0x0], $0xffff  }
0x6a: {  	v4 =	vmul.f32 v4, v49;
	v1 =	vld.idx.msk [tilespmem:v1+s2+$0x0], $0xffff  }
0x6b: {  	v7 =	vld.idx.msk [tilespmem:v7+s2+$0x0], $0xffff  }
0x6c: {  	[tilespmem:v50+s17+$0x0] =	vst.idx.add.f32.msk $0xffff, v4  }
0x6d: {  	v4 =	vld [tilespmem:s22+$0xFFFFFFC0]  }
0x6e: {  	v9 =	vld [tilespmem:s25+$0x7720];
	v5 =	vmul.f32 v5, v51  }
0x6f: {  	v3 =	vld.idx.msk [tilespmem:v3+s2+$0x0], $0xffff  }
0x70: {  	v1 =	vmul.f32 v1, v16;
	[tilespmem:v20+s17+$0x0] =	vst.idx.add.f32.msk $0xffff, v5  }
0x71: {  	v5 =	vld [tilespmem:s22+$0xFFFFFF80]  }
0x72: {  	v7 =	vmul.f32 v7, v18;
	[tilespmem:v15+s17+$0x0] =	vst.idx.add.f32.msk $0xffff, v1  }
0x73: {  	v6 =	vmul.f32 v13, v19;
	v1 =	vld.idx.msk [tilespmem:v14+s2+$0x0], $0xffff  }
0x74: {  	[tilespmem:v22+s17+$0x0] =	vst.idx.add.f32.msk $0xffff, v7  }
0x75: {  	[tilespmem:v4+s17+$0x0] =	vst.idx.add.f32.msk $0xffff, v6  }
0x76: {  	v7 =	vmul.f32 v48, v52;
	v6 =	vld [tilespmem:s25+$0x7700]  }
0x77: {  	v4 =	vld [tilespmem:s24+$0x2820]  }
0x78: {  	v3 =	vmul.f32 v3, v55;
	[tilespmem:v54+s17+$0x0] =	vst.idx.add.f32.msk $0xffff, v7  }
0x79: {  	v7 =	vld [tilespmem:s25+$0x7710]  }
0x7a: {  	v1 =	vmul.f32 v1, v21;
	[tilespmem:v5+s17+$0x0] =	vst.idx.add.f32.msk $0xffff, v3  }
0x7b: {  	v5 =	vld [tilespmem:s24+$0x2830]  }
0x7c: {  	[tilespmem:v53+s17+$0x0] =	vst.idx.add.f32.msk $0xffff, v1  }
0x7d: {  	v1 =	vld.idx.msk [tilespmem:v10+s2+$0x0], $0xffff  }
0x7e: {  	v10 =	vld [tilespmem:s25+$0x7730]  }
0x7f: {  	p2 =	por $0x1, $0x1;
	v3 =	vld [tilespmem:s24+$0x2840]  }
.Ltmp4:
0x80: {  	v2 =	vmul.f32 v2, v6;
	v6 =	vld [tilespmem:s24+$0x2850];
	(pc) =	sbr.rel @!p2 .LBB2_6-.Ltmp4, $4  }
0x81: {  	v63 =	vmul.f32 v11, v7;
	v11 =	vld [tilespmem:s24+$0x2860]  }
0x82: {  	v7 =	vmul.f32 v12, v9  }
0x83: {  	[tilespmem:v60+s17+$0x0] =	vst.idx.add.f32.msk $0xffff, v2;
	v9 =	vmul.f32 v8, v10;
	v8 =	vmul.f32 v56, v58  }
0x84: {  	s24 =	simm.s32 $0x10;
	[tilespmem:v61+s17+$0x0] =	vst.idx.add.f32.msk $0xffff, v63;
	v10 =	vmul.f32 v57, v59;
	v1 =	vmul.f32 v1, v62  }
.LBB2_5:
0x85: {  	s25 =	sshrl.u32 s24, $0x3;
	[tilespmem:v4+s17+$0x0] =	vst.idx.add.f32.msk $0xffff, v7  }
0x86: {  	s26 =	sor.u32 $0x1, s25;
	[tilespmem:v5+s17+$0x0] =	vst.idx.add.f32.msk $0xffff, v9;
	v2 =	vmov v11  }
0x87: {  	s25 =	sshll.u32 s26, $0xA;
	[tilespmem:v3+s17+$0x0] =	vst.idx.add.f32.msk $0xffff, v8  }
0x88: {  	s25 =	sshra.s32 s25, $0x2;
	[tilespmem:v6+s17+$0x0] =	vst.idx.add.f32.msk $0xffff, v10  }
0x89: {  	v3 =	vld [tilespmem:s25+$0x28F0]  }
0x8a: {  	v4 =	vld [tilespmem:s25+$0x2880]  }
0x8b: {  	v5 =	vld [tilespmem:s25+$0x2890]  }
0x8c: {  	v6 =	vld [tilespmem:s25+$0x28A0]  }
0x8d: {  	v7 =	vld [tilespmem:s25+$0x28B0]  }
0x8e: {  	v8 =	vld [tilespmem:s25+$0x28C0]  }
0x8f: {  	v9 =	vld [tilespmem:s25+$0x28D0]  }
0x90: {  	s26 =	sshll.u32 s26, $0x9;
	v10 =	vld [tilespmem:s25+$0x2870]  }
0x91: {  	s26 =	sshra.s32 s26, $0x2;
	v3 =	vld.idx.msk [tilespmem:v3+s2+$0x0], $0xffff  }
0x92: {  	v11 =	vld [tilespmem:s26+$0x7770]  }
0x93: {  	v12 =	vld [tilespmem:s25+$0x28E0]  }
0x94: {  	v4 =	vld.idx.msk [tilespmem:v4+s2+$0x0], $0xffff  }
0x95: {  	v5 =	vld.idx.msk [tilespmem:v5+s2+$0x0], $0xffff  }
0x96: {  	s24 =	sadd.s32 $0x10, s24;
	v6 =	vld.idx.msk [tilespmem:v6+s2+$0x0], $0xffff  }
0x97: {  	p2 =	slt.s32 s24, $0x270;
	v13 =	vld.idx.msk [tilespmem:v7+s2+$0x0], $0xffff;
	v3 =	vmul.f32 v3, v11  }
0x98: {  	v8 =	vld.idx.msk [tilespmem:v8+s2+$0x0], $0xffff  }
0x99: {  	s22 =	sadd.s32 $0x200, s22;
	[tilespmem:v10+s17+$0x0] =	vst.idx.add.f32.msk $0xffff, v3  }
0x9a: {  	v3 =	vld [tilespmem:s22+$0x70]  }
0x9b: {  	v7 =	vld [tilespmem:s22+$0x0]  }
0x9c: {  	v10 =	vld [tilespmem:s22+$0x10]  }
0x9d: {  	v11 =	vld [tilespmem:s22+$0x20]  }
0x9e: {  	v14 =	vld [tilespmem:s22+$0x30]  }
0x9f: {  	v15 =	vld [tilespmem:s22+$0x40]  }
0xa0: {  	v16 =	vld [tilespmem:s22+$0x50]  }
0xa1: {  	v17 =	vld [tilespmem:s22+$0xFFFFFFF0]  }
0xa2: {  	s23 =	sadd.s32 $0x100, s23;
	v3 =	vld.idx.msk [tilespmem:v3+s2+$0x0], $0xffff  }
0xa3: {  	v18 =	vld [tilespmem:s23+$0x30]  }
0xa4: {  	v19 =	vld [tilespmem:s22+$0x60]  }
0xa5: {  	v7 =	vld.idx.msk [tilespmem:v7+s2+$0x0], $0xffff  }
0xa6: {  	v10 =	vld.idx.msk [tilespmem:v10+s2+$0x0], $0xffff  }
0xa7: {  	v11 =	vld.idx.msk [tilespmem:v11+s2+$0x0], $0xffff  }
0xa8: {  	v14 =	vld.idx.msk [tilespmem:v14+s2+$0x0], $0xffff;
	v3 =	vmul.f32 v3, v18  }
0xa9: {  	v15 =	vld.idx.msk [tilespmem:v15+s2+$0x0], $0xffff  }
0xaa: {  	[tilespmem:v17+s17+$0x0] =	vst.idx.add.f32.msk $0xffff, v3  }
0xab: {  	v3 =	vld.idx.msk [tilespmem:v16+s2+$0x0], $0xffff  }
0xac: {  	v16 =	vld.idx.msk [tilespmem:v19+s2+$0x0], $0xffff  }
0xad: {  	v17 =	vld [tilespmem:s23+$0xFFFFFFC0]  }
0xae: {  	v18 =	vld [tilespmem:s23+$0xFFFFFFD0]  }
0xaf: {  	v19 =	vld [tilespmem:s23+$0xFFFFFFE0]  }
0xb0: {  	v20 =	vld [tilespmem:s23+$0xFFFFFFF0]  }
0xb1: {  	v21 =	vld [tilespmem:s23+$0x0]  }
0xb2: {  	v7 =	vmul.f32 v7, v17;
	v17 =	vld [tilespmem:s23+$0x10]  }
0xb3: {  	v10 =	vmul.f32 v10, v18;
	v18 =	vld [tilespmem:s23+$0x20]  }
0xb4: {  	v22 =	vld [tilespmem:s22+$0xFFFFFF90];
	v11 =	vmul.f32 v11, v19  }
0xb5: {  	v19 =	vld [tilespmem:s22+$0xFFFFFFA0];
	v14 =	vmul.f32 v14, v20  }
0xb6: {  	v20 =	vld [tilespmem:s22+$0xFFFFFFB0];
	v15 =	vmul.f32 v15, v21  }
0xb7: {  	v21 =	vld [tilespmem:s22+$0xFFFFFFC0];
	v3 =	vmul.f32 v3, v17  }
0xb8: {  	v17 =	vld [tilespmem:s22+$0xFFFFFFD0];
	v16 =	vmul.f32 v16, v18  }
0xb9: {  	v18 =	vld [tilespmem:s22+$0xFFFFFFE0]  }
0xba: {  	v23 =	vld [tilespmem:s22+$0xFFFFFF80]  }
0xbb: {  	v24 =	vld.idx.msk [tilespmem:v9+s2+$0x0], $0xffff  }
0xbc: {  	[tilespmem:v22+s17+$0x0] =	vst.idx.add.f32.msk $0xffff, v10  }
0xbd: {  	[tilespmem:v19+s17+$0x0] =	vst.idx.add.f32.msk $0xffff, v11  }
0xbe: {  	[tilespmem:v20+s17+$0x0] =	vst.idx.add.f32.msk $0xffff, v14  }
0xbf: {  	[tilespmem:v21+s17+$0x0] =	vst.idx.add.f32.msk $0xffff, v15  }
0xc0: {  	[tilespmem:v17+s17+$0x0] =	vst.idx.add.f32.msk $0xffff, v3  }
0xc1: {  	[tilespmem:v18+s17+$0x0] =	vst.idx.add.f32.msk $0xffff, v16  }
0xc2: {  	[tilespmem:v23+s17+$0x0] =	vst.idx.add.f32.msk $0xffff, v7  }
0xc3: {  	v11 =	vld.idx.msk [tilespmem:v12+s2+$0x0], $0xffff  }
0xc4: {  	v3 =	vld [tilespmem:s26+$0x7700]  }
0xc5: {  	v7 =	vld [tilespmem:s26+$0x7710]  }
0xc6: {  	v9 =	vld [tilespmem:s26+$0x7720]  }
0xc7: {  	v10 =	vld [tilespmem:s26+$0x7730]  }
0xc8: {  	v12 =	vld [tilespmem:s26+$0x7740]  }
0xc9: {  	v14 =	vmul.f32 v4, v3;
	v3 =	vld [tilespmem:s26+$0x7750]  }
0xca: {  	v15 =	vmul.f32 v5, v7;
	v16 =	vld [tilespmem:s26+$0x7760]  }
0xcb: {  	v17 =	vld [tilespmem:s25+$0x2800];
	v7 =	vmul.f32 v6, v9  }
0xcc: {  	v18 =	vld [tilespmem:s25+$0x2810];
	v9 =	vmul.f32 v13, v10  }
0xcd: {  	v4 =	vld [tilespmem:s25+$0x2820];
	v8 =	vmul.f32 v8, v12  }
0xce: {  	v5 =	vld [tilespmem:s25+$0x2830];
	v10 =	vmul.f32 v24, v3  }
0xcf: {  	v3 =	vld [tilespmem:s25+$0x2840];
	v12 =	vmul.f32 v11, v16  }
.Ltmp5:
0xd0: {  	v6 =	vld [tilespmem:s25+$0x2850];
	(pc) =	sbr.rel @p2 .LBB2_5-.Ltmp5, $4  }
0xd1: {  	v11 =	vld [tilespmem:s25+$0x2860]  }
0xd2: {  	[tilespmem:v2+s17+$0x0] =	vst.idx.add.f32.msk $0xffff, v1;
	v1 =	vmov v12  }
0xd3: {  	[tilespmem:v17+s17+$0x0] =	vst.idx.add.f32.msk $0xffff, v14  }
0xd4: {  	[tilespmem:v18+s17+$0x0] =	vst.idx.add.f32.msk $0xffff, v15  }
.LBB2_6:
0xd5: {  	_ =	sdelay $0x3  }
0xd6: {  	[tilespmem:v4+s17+$0x0] =	vst.idx.add.f32.msk $0xffff, v7  }
0xd7: {  	[tilespmem:v5+s17+$0x0] =	vst.idx.add.f32.msk $0xffff, v9  }
0xd8: {  	[tilespmem:v3+s17+$0x0] =	vst.idx.add.f32.msk $0xffff, v8  }
0xd9: {  	[tilespmem:v6+s17+$0x0] =	vst.idx.add.f32.msk $0xffff, v10  }
0xda: {  	[tilespmem:v11+s17+$0x0] =	vst.idx.add.f32.msk $0xffff, v1  }
.LBB2_7:
.Ltmp6:
0xdb: {  	(pc) =	sbr.rel @p1 .LBB2_9-.Ltmp6, $3  }
0xdc: {  	_ =	sdelay $0x1  }
0xdd: {  	s22 =	smov.u32 s11  }
0xde: {  	s23 =	smov.u32 s10;
	s24 =	smov.u32 s9;
	s25 =	smov.u32 s6  }
.LBB2_8:
0xdf: {  	s26 =	sand.u32 $0x70, s22;
	s28 =	sand.u32 $0xFFFFFF00, s24  }
0xe0: {  	s26 =	sor.u32 s26, s28  }
0xe1: {  	v1 =	vld [tilespmem:s26+$0x2880];
	_ =	sdelay $0x5  }
0xe2: {  	v3 =	vld [tilespmem:s23+$0x0]  }
0xe3: {  	v2 =	vld [tilespmem:s26+$0x2800]  }
0xe4: {  	v1 =	vld.idx.msk [tilespmem:v1+s2+$0x0], $0xffff;
	_ =	sdelay $0x1  }
0xe5: {  	p2 =	sne.s32 s25, $0x1  }
.Ltmp7:
0xe6: {  	_ = 	snop;
	(pc) =	sbr.rel @p2 .LBB2_8-.Ltmp7, $4  }
0xe7: {  	_ = 	snop  }
0xe8: {  	v1 =	vmul.f32 v1, v3  }
0xe9: {  	s24 =	sadd.s32 $0x20, s24  }
0xea: {  	s23 =	sadd.s32 $0x10, s23;
	s22 =	sadd.s32 $0x10, s22;
	s25 =	sadd.s32 $0xFFFFFFFF, s25;
	[tilespmem:v2+s17+$0x0] =	vst.idx.add.f32.msk $0xffff, v1  }
.Ltmp8:
0xeb: {  	_ = 	snop;
	(pc) =	sbr.rel .LBB2_9-.Ltmp8, $1  }
0xec: {  	_ =	sdelay $0x3  }
.LBB2_10:
0xed: {  	_ =	sfence.sel $0x180000  }
0xee: {  	[bflag:$0x0] =	sbarrier.arrive $0xFFFF  }
0xef: {  	p0 =	sne.s32 s0, $0x0;
	_ =	strace $0x90000047  }
0xf0: {  	s0 =	sadd.s32 @!p0 $0x100000, s1;
	[bflag:$0x2] =	sbarrier.arrive $0xFFFF  }
0xf1: {  	[sflag:s0] =	ssyncadd.tile.s32 @!p0 $0x1;
	_ =	shalt  }
.Lfunc_end2:
_tile_overlayer_lowered:
.L_overlay_start_2:
0xf2: {  	(tag) =	ssettag $0x2  }
0xf3: {  	s0 =	rddreg [dreg:$0x0];
	s2 =	stileid.u32  }
0xf4: {  	s1 =	rddreg [dreg:$0x1];
	p0 =	sne.s32 s2, $0x0  }
0xf5: {  	s3 =	rddreg [dreg:$0x2];
	[bflag:$0x3] =	sbarrier.arrive $0xFFFF;
	s2 =	simm.s32 @!p0 $0x1C04  }
0xf6: {  	[timem:s3], [sflag:s2] =	dma.local @!p0 [hbm:s0], s1  }
0xf7: {  	s0 =	simm.s32 @!p0 $0x4  }
0xf8: {  	_ =	swait.ge @!p0 [sflag:s0], s1  }
0xf9: {  	s1 =	ssub.s32 @!p0 $0x0, s1;
	[sflag:s0] =	ssyncset.done @!p0 $0x0  }
0xfa: {  	[sflag:s0] =	ssyncadd.s32 @!p0 s1  }
0xfb: {  	[bflag:$0x3] =	sbarrier.arrive $0xFFFF  }
0xfc: {  	_ =	shalt  }

</sc_bundles>
